<compile_context>
chip_gen: v7x
topology: tpu7x:2x2x1
jax: 0.10.2.dev20260603
libtpu: 0.0.44.dev20260713+nightly
codegen_flags: <defaults>
</compile_context>

<pallas_src>
import functools

import jax
import jax.numpy as jnp
from jax import lax
from jax.experimental import pallas as pl
from jax.experimental.pallas import tpu as pltpu
from jax.experimental.pallas import tpu_sc as plsc

_MAX_LEN = 2048


def kernel(q, k, emb):
    s_q = q.shape[2]
    s_k = k.shape[2]
    d = emb.shape[1]

    emb_pad = jnp.concatenate([emb, emb[-1:]], axis=0)

    info = plsc.get_sparse_core_info()
    nw = info.num_cores * info.num_subcores

    chunk = 32
    csz = chunk * d
    nch = s_k // chunk

    mesh = plsc.VectorSubcoreMesh(core_axis_name="c", subcore_axis_name="s")

    @functools.partial(
        pl.kernel,
        mesh=mesh,
        out_type=jax.ShapeDtypeStruct((s_q * s_k * d,), jnp.float32),
        scratch_types=[
            pltpu.VMEM((csz,), jnp.float32),
            pltpu.VMEM((csz,), jnp.float32),
            pltpu.SemaphoreType.DMA,
            pltpu.SemaphoreType.DMA,
            pltpu.SemaphoreType.DMA,
            pltpu.SemaphoreType.DMA,
        ],
    )
    def run(emb_hbm, out_hbm, buf0, buf1, isem0, isem1, osem0, osem1):
        w = lax.axis_index("s") * info.num_cores + lax.axis_index("c")
        src0 = (_MAX_LEN - w) * d
        dst0 = w * s_k * d
        bufs = (buf0, buf1)
        isems = (isem0, isem1)
        osems = (osem0, osem1)

        def in_cp(ci, b):
            return pltpu.make_async_copy(
                emb_hbm.at[pl.ds(src0 + ci * csz, csz)], bufs[b], isems[b])

        def out_cp(ci, b):
            return pltpu.make_async_copy(
                bufs[b], out_hbm.at[pl.ds(dst0 + ci * csz, csz)], osems[b])

        in_cp(0, 0).start()
        in_cp(1, 1).start()

        def body(g, carry):
            ci0 = 2 * g
            for b in range(2):
                ci = ci0 + b
                in_cp(ci, b).wait()
                out_cp(ci, b).start()
                nci = ci + 2

                @pl.when(nci < nch)
                def _():
                    out_cp(ci, b).wait()
                    in_cp(nci, b).start()
            return carry

        lax.fori_loop(0, nch // 2, body, 0)
        out_cp(nch - 2, 0).wait()
        out_cp(nch - 1, 1).wait()

    out = run(emb_pad.reshape(-1))
    return out.reshape(s_q, s_k, d)

# --- scband reference (transcript-rebuilt; emitter-appended) ---
"""Pipeline reference for scband-relative-position-encoding-41970420417954 (READ-ONLY COPY).

The authoritative reference and input builder live on the scoring server;
editing this copy changes nothing except your own understanding.
"""

import jax, jax.numpy as jnp
import numpy as np

MAX_LEN = 2048
D_MODEL = 1024

def setup_inputs(seed: int = 0) -> dict:
    key = jax.random.key(seed)
    k1, k2, k3 = jax.random.split(key, 3)
    q = jax.random.normal(k1, (32, 16, 32, 64), dtype=jnp.float32)
    k = jax.random.normal(k2, (32, 16, 2048, 64), dtype=jnp.float32)
    emb = jax.random.normal(k3, (2 * MAX_LEN - 1, D_MODEL), dtype=jnp.float32) * 0.02
    return {"q": q, "k": k, "emb": emb}

def reference(q, k, emb):
    seq_len = max(q.shape[2], k.shape[2])
    # positions = arange(S) broadcast over rows + flipped arange(S) over columns
    pos = jnp.arange(seq_len)[None, :] + jnp.arange(seq_len)[::-1][:, None]
    pos = jnp.clip(pos - seq_len + 1 + MAX_LEN, 0, 2 * MAX_LEN - 2)
    pos = pos[: q.shape[2], : k.shape[2]]
    pos_enc = jnp.take(emb, pos, axis=0)
    return pos_enc

if __name__ == "__main__":
    import jax
    _d = setup_inputs()
    print(jax.jit(kernel)(*tuple(_d.values())))

</pallas_src>

<mosaic_0001>
#map = affine_map<(d0, d1) -> (0)>
module attributes {stable_mosaic.version = 14 : i64} {
  func.func @run(%arg0: i32, %arg1: i32, %arg2: memref<4194304xf32, #tpu.memory_space<hbm>>, %arg3: memref<67108864xf32, #tpu.memory_space<hbm>>, %arg4: memref<32768xf32, #tpu.memory_space<vmem>>, %arg5: memref<32768xf32, #tpu.memory_space<vmem>>, %arg6: memref<!tpu.dma_semaphore, #tpu.memory_space<semaphore_mem>>, %arg7: memref<!tpu.dma_semaphore, #tpu.memory_space<semaphore_mem>>, %arg8: memref<!tpu.dma_semaphore, #tpu.memory_space<semaphore_mem>>, %arg9: memref<!tpu.dma_semaphore, #tpu.memory_space<semaphore_mem>>) attributes {dimension_semantics = [#tpu.dimension_semantics<core_parallel>, #tpu.dimension_semantics<subcore_parallel>], iteration_bounds = array<i64: 2, 16>, scalar_prefetch = 0 : i64, scratch_operands = 6 : i64, tpu.core_type = #tpu.core_type<sc_vector_subcore>, window_params = [{transform_indices = #map}, {transform_indices = #map}]} {
    %mul3A = arith.constant 2 : i32
    %mul3A_0 = arith.muli %arg1, %mul3A : i32
    %add3A = arith.addi %mul3A_0, %arg0 : i32
    %sub3A = arith.constant 2048 : i32
    %sub3A_1 = arith.subi %sub3A, %add3A : i32
    %mul3A_2 = arith.constant 1024 : i32
    %mul3A_3 = arith.muli %sub3A_1, %mul3A_2 : i32
    %mul3A_4 = arith.constant 2048 : i32
    %mul3A_5 = arith.muli %add3A, %mul3A_4 : i32
    %mul3A_6 = arith.constant 1024 : i32
    %mul3A_7 = arith.muli %mul3A_5, %mul3A_6 : i32
    %add3A_8 = arith.constant 0 : i32
    %add3A_9 = arith.addi %mul3A_3, %add3A_8 : i32
    %dma_start3A = tpu.memref_slice %arg2[%add3A_9] : memref<4194304xf32, #tpu.memory_space<hbm>> -> memref<32768xf32, #tpu.memory_space<hbm>>
    %dma_start3A_10 = tpu.memref_slice %arg2[%add3A_9] : memref<4194304xf32, #tpu.memory_space<hbm>> -> memref<32768xf32, #tpu.memory_space<hbm>>
    tpu.enqueue_dma source(%dma_start3A_10 : memref<32768xf32, #tpu.memory_space<hbm>>) target(%arg4 : memref<32768xf32, #tpu.memory_space<vmem>>) target_semaphore(%arg6 : memref<!tpu.dma_semaphore, #tpu.memory_space<semaphore_mem>>)
    %add3A_11 = arith.constant 32768 : i32
    %add3A_12 = arith.addi %mul3A_3, %add3A_11 : i32
    %dma_start3A_13 = tpu.memref_slice %arg2[%add3A_12] : memref<4194304xf32, #tpu.memory_space<hbm>> -> memref<32768xf32, #tpu.memory_space<hbm>>
    %dma_start3A_14 = tpu.memref_slice %arg2[%add3A_12] : memref<4194304xf32, #tpu.memory_space<hbm>> -> memref<32768xf32, #tpu.memory_space<hbm>>
    tpu.enqueue_dma source(%dma_start3A_14 : memref<32768xf32, #tpu.memory_space<hbm>>) target(%arg5 : memref<32768xf32, #tpu.memory_space<vmem>>) target_semaphore(%arg7 : memref<!tpu.dma_semaphore, #tpu.memory_space<semaphore_mem>>)
    %scan3A = arith.constant 0 : i32
    %scan3A_15 = arith.constant 0 : i32
    %scan3A_16 = arith.constant 32 : i32
    %scan3A_17 = arith.addi %scan3A_15, %scan3A_16 : i32
    %scan3A_18 = arith.constant 1 : i32
    scf.for %scan3A_27 = %scan3A_15 to %scan3A_17 step %scan3A_18  : i32 {
      %mul3A_28 = arith.constant 2 : i32
      %mul3A_29 = arith.muli %mul3A_28, %scan3A_27 : i32
      %add3A_30 = arith.constant 0 : i32
      %add3A_31 = arith.addi %mul3A_29, %add3A_30 : i32
      %mul3A_32 = arith.constant 32768 : i32
      %mul3A_33 = arith.muli %add3A_31, %mul3A_32 : i32
      %add3A_34 = arith.addi %mul3A_3, %mul3A_33 : i32
      %dma_wait3A_35 = tpu.memref_slice %arg2[%add3A_34] : memref<4194304xf32, #tpu.memory_space<hbm>> -> memref<32768xf32, #tpu.memory_space<hbm>>
      %dma_wait3A_36 = tpu.memref_slice %arg2[%add3A_34] : memref<4194304xf32, #tpu.memory_space<hbm>> -> memref<32768xf32, #tpu.memory_space<hbm>>
      tpu.wait_dma2 semaphore(%arg6 : memref<!tpu.dma_semaphore, #tpu.memory_space<semaphore_mem>>) src(%dma_wait3A_36 : memref<32768xf32, #tpu.memory_space<hbm>>) dst(%arg4 : memref<32768xf32, #tpu.memory_space<vmem>>)
      %mul3A_37 = arith.constant 32768 : i32
      %mul3A_38 = arith.muli %add3A_31, %mul3A_37 : i32
      %add3A_39 = arith.addi %mul3A_7, %mul3A_38 : i32
      %dma_start3A_40 = tpu.memref_slice %arg3[%add3A_39] : memref<67108864xf32, #tpu.memory_space<hbm>> -> memref<32768xf32, #tpu.memory_space<hbm>>
      %dma_start3A_41 = tpu.memref_slice %arg3[%add3A_39] : memref<67108864xf32, #tpu.memory_space<hbm>> -> memref<32768xf32, #tpu.memory_space<hbm>>
      tpu.enqueue_dma source(%arg4 : memref<32768xf32, #tpu.memory_space<vmem>>) target(%dma_start3A_41 : memref<32768xf32, #tpu.memory_space<hbm>>) target_semaphore(%arg8 : memref<!tpu.dma_semaphore, #tpu.memory_space<semaphore_mem>>)
      %add3A_42 = arith.constant 2 : i32
      %add3A_43 = arith.addi %add3A_31, %add3A_42 : i32
      %lt3A = arith.constant 64 : i32
      %lt3A_44 = arith.cmpi slt, %add3A_43, %lt3A : i32
      %convert_element_type3A = arith.extui %lt3A_44 : i1 to i32
      %cond3A = arith.constant 0 : i32
      %cond3A_45 = arith.cmpi ne, %convert_element_type3A, %cond3A : i32
      scf.if %cond3A_45 {
        %mul3A_65 = arith.constant 32768 : i32
        %mul3A_66 = arith.muli %add3A_31, %mul3A_65 : i32
        %add3A_67 = arith.addi %mul3A_7, %mul3A_66 : i32
        %dma_wait3A_68 = tpu.memref_slice %arg3[%add3A_67] : memref<67108864xf32, #tpu.memory_space<hbm>> -> memref<32768xf32, #tpu.memory_space<hbm>>
        %dma_wait3A_69 = tpu.memref_slice %arg3[%add3A_67] : memref<67108864xf32, #tpu.memory_space<hbm>> -> memref<32768xf32, #tpu.memory_space<hbm>>
        tpu.wait_dma2 semaphore(%arg8 : memref<!tpu.dma_semaphore, #tpu.memory_space<semaphore_mem>>) src(%arg4 : memref<32768xf32, #tpu.memory_space<vmem>>) dst(%dma_wait3A_69 : memref<32768xf32, #tpu.memory_space<hbm>>)
        %mul3A_70 = arith.constant 32768 : i32
        %mul3A_71 = arith.muli %add3A_43, %mul3A_70 : i32
        %add3A_72 = arith.addi %mul3A_3, %mul3A_71 : i32
        %dma_start3A_73 = tpu.memref_slice %arg2[%add3A_72] : memref<4194304xf32, #tpu.memory_space<hbm>> -> memref<32768xf32, #tpu.memory_space<hbm>>
        %dma_start3A_74 = tpu.memref_slice %arg2[%add3A_72] : memref<4194304xf32, #tpu.memory_space<hbm>> -> memref<32768xf32, #tpu.memory_space<hbm>>
        tpu.enqueue_dma source(%dma_start3A_74 : memref<32768xf32, #tpu.memory_space<hbm>>) target(%arg4 : memref<32768xf32, #tpu.memory_space<vmem>>) target_semaphore(%arg6 : memref<!tpu.dma_semaphore, #tpu.memory_space<semaphore_mem>>)
      } else {
      }
      %add3A_46 = arith.constant 1 : i32
      %add3A_47 = arith.addi %mul3A_29, %add3A_46 : i32
      %mul3A_48 = arith.constant 32768 : i32
      %mul3A_49 = arith.muli %add3A_47, %mul3A_48 : i32
      %add3A_50 = arith.addi %mul3A_3, %mul3A_49 : i32
      %dma_wait3A_51 = tpu.memref_slice %arg2[%add3A_50] : memref<4194304xf32, #tpu.memory_space<hbm>> -> memref<32768xf32, #tpu.memory_space<hbm>>
      %dma_wait3A_52 = tpu.memref_slice %arg2[%add3A_50] : memref<4194304xf32, #tpu.memory_space<hbm>> -> memref<32768xf32, #tpu.memory_space<hbm>>
      tpu.wait_dma2 semaphore(%arg7 : memref<!tpu.dma_semaphore, #tpu.memory_space<semaphore_mem>>) src(%dma_wait3A_52 : memref<32768xf32, #tpu.memory_space<hbm>>) dst(%arg5 : memref<32768xf32, #tpu.memory_space<vmem>>)
      %mul3A_53 = arith.constant 32768 : i32
      %mul3A_54 = arith.muli %add3A_47, %mul3A_53 : i32
      %add3A_55 = arith.addi %mul3A_7, %mul3A_54 : i32
      %dma_start3A_56 = tpu.memref_slice %arg3[%add3A_55] : memref<67108864xf32, #tpu.memory_space<hbm>> -> memref<32768xf32, #tpu.memory_space<hbm>>
      %dma_start3A_57 = tpu.memref_slice %arg3[%add3A_55] : memref<67108864xf32, #tpu.memory_space<hbm>> -> memref<32768xf32, #tpu.memory_space<hbm>>
      tpu.enqueue_dma source(%arg5 : memref<32768xf32, #tpu.memory_space<vmem>>) target(%dma_start3A_57 : memref<32768xf32, #tpu.memory_space<hbm>>) target_semaphore(%arg9 : memref<!tpu.dma_semaphore, #tpu.memory_space<semaphore_mem>>)
      %add3A_58 = arith.constant 2 : i32
      %add3A_59 = arith.addi %add3A_47, %add3A_58 : i32
      %lt3A_60 = arith.constant 64 : i32
      %lt3A_61 = arith.cmpi slt, %add3A_59, %lt3A_60 : i32
      %convert_element_type3A_62 = arith.extui %lt3A_61 : i1 to i32
      %cond3A_63 = arith.constant 0 : i32
      %cond3A_64 = arith.cmpi ne, %convert_element_type3A_62, %cond3A_63 : i32
      scf.if %cond3A_64 {
        %mul3A_65 = arith.constant 32768 : i32
        %mul3A_66 = arith.muli %add3A_47, %mul3A_65 : i32
        %add3A_67 = arith.addi %mul3A_7, %mul3A_66 : i32
        %dma_wait3A_68 = tpu.memref_slice %arg3[%add3A_67] : memref<67108864xf32, #tpu.memory_space<hbm>> -> memref<32768xf32, #tpu.memory_space<hbm>>
        %dma_wait3A_69 = tpu.memref_slice %arg3[%add3A_67] : memref<67108864xf32, #tpu.memory_space<hbm>> -> memref<32768xf32, #tpu.memory_space<hbm>>
        tpu.wait_dma2 semaphore(%arg9 : memref<!tpu.dma_semaphore, #tpu.memory_space<semaphore_mem>>) src(%arg5 : memref<32768xf32, #tpu.memory_space<vmem>>) dst(%dma_wait3A_69 : memref<32768xf32, #tpu.memory_space<hbm>>)
        %mul3A_70 = arith.constant 32768 : i32
        %mul3A_71 = arith.muli %add3A_59, %mul3A_70 : i32
        %add3A_72 = arith.addi %mul3A_3, %mul3A_71 : i32
        %dma_start3A_73 = tpu.memref_slice %arg2[%add3A_72] : memref<4194304xf32, #tpu.memory_space<hbm>> -> memref<32768xf32, #tpu.memory_space<hbm>>
        %dma_start3A_74 = tpu.memref_slice %arg2[%add3A_72] : memref<4194304xf32, #tpu.memory_space<hbm>> -> memref<32768xf32, #tpu.memory_space<hbm>>
        tpu.enqueue_dma source(%dma_start3A_74 : memref<32768xf32, #tpu.memory_space<hbm>>) target(%arg5 : memref<32768xf32, #tpu.memory_space<vmem>>) target_semaphore(%arg7 : memref<!tpu.dma_semaphore, #tpu.memory_space<semaphore_mem>>)
      } else {
      }
    }
    %scan3A_19 = arith.constant 32 : i32
    %add3A_20 = arith.constant 2031616 : i32
    %add3A_21 = arith.addi %mul3A_7, %add3A_20 : i32
    %dma_wait3A = tpu.memref_slice %arg3[%add3A_21] : memref<67108864xf32, #tpu.memory_space<hbm>> -> memref<32768xf32, #tpu.memory_space<hbm>>
    %dma_wait3A_22 = tpu.memref_slice %arg3[%add3A_21] : memref<67108864xf32, #tpu.memory_space<hbm>> -> memref<32768xf32, #tpu.memory_space<hbm>>
    tpu.wait_dma2 semaphore(%arg8 : memref<!tpu.dma_semaphore, #tpu.memory_space<semaphore_mem>>) src(%arg4 : memref<32768xf32, #tpu.memory_space<vmem>>) dst(%dma_wait3A_22 : memref<32768xf32, #tpu.memory_space<hbm>>)
    %add3A_23 = arith.constant 2064384 : i32
    %add3A_24 = arith.addi %mul3A_7, %add3A_23 : i32
    %dma_wait3A_25 = tpu.memref_slice %arg3[%add3A_24] : memref<67108864xf32, #tpu.memory_space<hbm>> -> memref<32768xf32, #tpu.memory_space<hbm>>
    %dma_wait3A_26 = tpu.memref_slice %arg3[%add3A_24] : memref<67108864xf32, #tpu.memory_space<hbm>> -> memref<32768xf32, #tpu.memory_space<hbm>>
    tpu.wait_dma2 semaphore(%arg9 : memref<!tpu.dma_semaphore, #tpu.memory_space<semaphore_mem>>) src(%arg5 : memref<32768xf32, #tpu.memory_space<vmem>>) dst(%dma_wait3A_26 : memref<32768xf32, #tpu.memory_space<hbm>>)
    return
  }
}

</mosaic_0001>

<sc_bundles>
// kernel: kernel.3.cloned.1.call-start
scs
__scs_entry_jumppad:
0x0: {  	(pc) =	sbr.rel $0x88, $3  }
0x1: {  	(tag) =	ssettag $0x0;
	lr =	simm.s32 $0x1  }
0x2: {  	[smem:$0x3FA0] =	sst lr;
	_ =	strace $0xD0000000  }
0x3: {  	_ = 	snop  }
0x4: {  	_ = 	snop  }
0x5: {  	_ = 	snop  }
0x6: {  	_ = 	snop  }
0x7: {  	_ = 	snop  }
__scs_overlays_trampoline_lowered:
0x8: {  	[smem:$0x3FAF] =	sst s0  }
0x9: {  	[smem:$0x3FB0] =	sst s1  }
0xa: {  	[smem:$0x3FB1] =	sst s2  }
0xb: {  	[smem:$0x3FB2] =	sst s3  }
0xc: {  	[smem:$0x3FB3] =	sst s4  }
0xd: {  	[smem:$0x3FB4] =	sst s5  }
0xe: {  	[smem:$0x3FB5] =	sst s6  }
0xf: {  	[smem:$0x3FB6] =	sst s7  }
0x10: {  	[smem:$0x3FB7] =	sst s8  }
0x11: {  	[smem:$0x3FB8] =	sst s9;
	s0 =	simm.s32 @!p0 $0x0  }
0x12: {  	s1 =	sld [smem:$0x3F9E];
	s0 =	simm.s32 @p0 $0x1  }
0x13: {  	[smem:$0x3FB9] =	sst s0;
	s0 =	simm.s32 @!p1 $0x0  }
0x14: {  	s2 =	sld [smem:$0x3F9D];
	s0 =	simm.s32 @p1 $0x1  }
0x15: {  	[smem:$0x3FBA] =	sst s0;
	s0 =	simm.s32 @!p2 $0x0  }
0x16: {  	s3 =	sld [smem:$0x3FDB];
	s0 =	simm.s32 @p2 $0x1  }
0x17: {  	s4 =	simm.s32 $0x1BF5;
	[smem:$0x3FBC] =	sst s0  }
0x18: {  	s0 =	sld [smem:$0x3F9F];
	_ =	swait.ge [sflag:s4], $0x0  }
0x19: {  	s7 =	sld [smem:$0x3FA0]  }
0x1a: {  	s8 =	sadd.s32 $0xFFFFE003, lr  }
0x1b: {  	s9 =	sadd.s32 $0xFFFFFEF7, lr;
	s5 =	simm.s32 $0xFFFFFFFF;
	p2 =	slt.u32 s8, $0xFFFFF086  }
0x1c: {  	p1 =	slt.u32 s9, $0xF7A;
	s5 =	simm.s32 @!p2 $0x0  }
0x1d: {  	s5 =	simm.s32 @p1 $0x1;
	p0 =	seq.s32 s7, s2  }
0x1e: {  	s7 =	smul.u32 @!p0 $0xF7A, s2;
	p2 =	seq.s32 @!p0 s5, $0x0  }
0x1f: {  	s9 =	smul.u32 $0xF7A, s1;
	s8 =	simm.s32 @!p0 $0x1BF5;
	p2 =	por !p2, p0  }
0x20: {  	[sflag:s8] =	ssyncset.s32 @!p0 $0xFFFFF086;
	s6 =	sadd.s32 @!p0 s3, s7;
	s7 =	simm.s32 @!p0 $0x108  }
0x21: {  	s3 =	sadd.s32 s3, s9;
	s6 =	sadd.s32 @!p0 $0x88, s6;
	s7 =	simm.s32 @p2 $0x1082  }
0x22: {  	[simem:s7], [sflag:s8] =	dma.local @!p0 [hbm:s6], $0xF7A  }
0x23: {  	s9 =	sor.u32 $0xD0000000, s2;
	s6 =	simm.s32 $0x108;
	_ =	swait.ge @!p0 [sflag:s8], $0x0  }
0x24: {  	s3 =	sadd.s32 $0x88, s3;
	s6 =	simm.s32 @!p1 $0x1082;
	[sflag:s4] =	ssyncset.s32 $0xFFFFF086  }
0x25: {  	[simem:s6], [sflag:s4] =	dma.local [hbm:s3], $0xF7A  }
0x26: {  	[smem:$0x3FA0] =	sst s1;
	(tag) =	ssettag s2;
	_ =	strace s9  }
0x27: {  	s1 =	sld [smem:$0x3FB0]  }
0x28: {  	s2 =	sld [smem:$0x3FB1]  }
0x29: {  	s4 =	sld [smem:$0x3FB3]  }
0x2a: {  	p0 =	seq.s32 s5, $0x0;
	s5 =	sld [smem:$0x3FB4]  }
0x2b: {  	s6 =	sld [smem:$0x3FB5]  }
0x2c: {  	s7 =	sld [smem:$0x3FB6]  }
0x2d: {  	s3 =	simm.s32 $0x108;
	s8 =	sld [smem:$0x3FB7]  }
0x2e: {  	s3 =	simm.s32 @!p0 $0x1082;
	s9 =	sld [smem:$0x3FB8]  }
0x2f: {  	lr =	sadd.s32 s0, s3;
	s0 =	sld [smem:$0x3FAF]  }
0x30: {  	s3 =	sld [smem:$0x3FB2]  }
0x31: {  	[smem:$0x3FBB] =	sst s10  }
0x32: {  	s10 =	sld [smem:$0x3FB9];
	_ =	sdelay $0x3  }
0x33: {  	p0 =	seq.s32 s10, $0x1;
	s10 =	sld [smem:$0x3FBB];
	_ =	sdelay $0x3  }
0x34: {  	[smem:$0x3FBB] =	sst s10  }
0x35: {  	s10 =	sld [smem:$0x3FBA];
	_ =	sdelay $0x3  }
0x36: {  	p1 =	seq.s32 s10, $0x1;
	s10 =	sld [smem:$0x3FBB];
	_ =	sdelay $0x3  }
0x37: {  	[smem:$0x3FBB] =	sst s10  }
0x38: {  	s10 =	sld [smem:$0x3FBC]  }
0x39: {  	_ = 	snop;
	(pc) =	sbr.ind lr, $3  }
0x3a: {  	_ = 	snop  }
0x3b: {  	_ = 	snop  }
0x3c: {  	p2 =	seq.s32 s10, $0x1;
	s10 =	sld [smem:$0x3FBB]  }
0x3d: {  	_ =	shalt  }
0x3e: {  	_ =	shalt  }
0x3f: {  	_ =	shalt  }
0x40: {  	_ =	shalt  }
0x41: {  	_ =	shalt  }
0x42: {  	_ =	shalt  }
0x43: {  	_ =	shalt  }
0x44: {  	_ =	shalt  }
0x45: {  	_ =	shalt  }
0x46: {  	_ =	shalt  }
0x47: {  	_ =	shalt  }
0x48: {  	_ =	shalt  }
0x49: {  	_ =	shalt  }
0x4a: {  	_ =	shalt  }
0x4b: {  	_ =	shalt  }
0x4c: {  	_ =	shalt  }
0x4d: {  	_ =	shalt  }
0x4e: {  	_ =	shalt  }
0x4f: {  	_ =	shalt  }
0x50: {  	_ =	shalt  }
0x51: {  	_ =	shalt  }
0x52: {  	_ =	shalt  }
0x53: {  	_ =	shalt  }
0x54: {  	_ =	shalt  }
0x55: {  	_ =	shalt  }
0x56: {  	_ =	shalt  }
0x57: {  	_ =	shalt  }
0x58: {  	_ =	shalt  }
0x59: {  	_ =	shalt  }
0x5a: {  	_ =	shalt  }
0x5b: {  	_ =	shalt  }
0x5c: {  	_ =	shalt  }
0x5d: {  	_ =	shalt  }
0x5e: {  	_ =	shalt  }
0x5f: {  	_ =	shalt  }
0x60: {  	_ =	shalt  }
0x61: {  	_ =	shalt  }
0x62: {  	_ =	shalt  }
0x63: {  	_ =	shalt  }
0x64: {  	_ =	shalt  }
0x65: {  	_ =	shalt  }
0x66: {  	_ =	shalt  }
0x67: {  	_ =	shalt  }
0x68: {  	_ =	shalt  }
0x69: {  	_ =	shalt  }
0x6a: {  	_ =	shalt  }
0x6b: {  	_ =	shalt  }
0x6c: {  	_ =	shalt  }
0x6d: {  	_ =	shalt  }
0x6e: {  	_ =	shalt  }
0x6f: {  	_ =	shalt  }
0x70: {  	_ =	shalt  }
0x71: {  	_ =	shalt  }
0x72: {  	_ =	shalt  }
0x73: {  	_ =	shalt  }
0x74: {  	_ =	shalt  }
0x75: {  	_ =	shalt  }
0x76: {  	_ =	shalt  }
0x77: {  	_ =	shalt  }
0x78: {  	_ =	shalt  }
0x79: {  	_ =	shalt  }
0x7a: {  	_ =	shalt  }
0x7b: {  	_ =	shalt  }
0x7c: {  	_ =	shalt  }
0x7d: {  	_ =	shalt  }
0x7e: {  	_ =	shalt  }
0x7f: {  	_ =	shalt  }
0x80: {  	_ =	shalt  }
0x81: {  	_ =	shalt  }
0x82: {  	_ =	shalt  }
0x83: {  	_ =	shalt  }
0x84: {  	_ =	shalt  }
0x85: {  	_ =	shalt  }
0x86: {  	_ =	shalt  }
0x87: {  	_ =	shalt  }
.Lfunc_end0:
.L_simem_size_0:
called_computation_lowered:
.L_overlay_start_0:
0x88: {  	s2 =	sld [smem:$0x3FD9]  }
0x89: {  	s3 =	sld [smem:$0x3FFE];
	_ =	sdelay $0x1  }
0x8a: {  	s1 =	srdreg.scid  }
0x8b: {  	s0 =	sand.u32 $0x1, s1  }
0x8c: {  	s17 =	sshll.u32 s0, $0xA;
	s2 =	sadd.s32 s3, s2  }
0x8d: {  	s2 =	sadd.s32 s2, s17  }
0x8e: {  	[smem:$0x3FC7] =	sst s2  }
0x8f: {  	_ = 	snop  }
0x90: {  	s2 =	sld [smem:$0x3FD0];
	(tm) =	ssettm $0x1  }
0x91: {  	s18 =	sld [smem:$0x3FFB];
	_ =	sdelay $0x3  }
0x92: {  	_ =	strace s18  }
0x93: {  	s3 =	sld [smem:$0x3FFC];
	_ =	sdelay $0x3  }
0x94: {  	_ =	strace s3  }
0x95: {  	s3 =	sld [smem:$0x3FFD];
	_ =	sdelay $0x3  }
0x96: {  	_ =	strace s3  }
0x97: {  	_ =	strace $0x8FFFFFFF  }
0x98: {  	s19 =	sld [smem:$0x3FDB];
	_ =	sdelay $0x1  }
0x99: {  	s4 =	simm.s32 $_scs_section_size  }
0x9a: {  	s5 =	simm.s32 $_size__tile_overlayer_lowered;
	s6 =	simm.s32 $_tile_overlayer_lowered  }
0x9b: {  	s22 =	simm.s32 $0x1BFF;
	s21 =	sshll.u32 s6, $0x1;
	s3 =	sadd.s32 s4, s19  }
0x9c: {  	s7 =	simm.s32 $0x0;
	s20 =	sshll.u32 s5, $0x1;
	s5 =	sadd.s32 s21, s3  }
0x9d: {  	[timem:s7], [sflag:s22] =	dma.local [hbm:s5], s20  }
0x9e: {  	_ =	swait.ge [sflag:s22], s20  }
0x9f: {  	s4 =	ssub.s32 $0x0, s20;
	[sflag:s22] =	ssyncset.done $0x0  }
0xa0: {  	[sflag:s22] =	ssyncadd.s32 s4;
	_ =	sdelay $0x1  }
0xa1: {  	s23 =	simm.s32 $0x1B8B  }
0xa2: {  	_ =	swait.ge [sflag:s23], $0x1  }
0xa3: {  	[sflag:s23] =	ssyncset.done $0x0  }
0xa4: {  	s25 =	simm.s32 $0x1B8E;
	s24 =	sld [smem:$0x3FFE];
	[sflag:s23] =	ssyncadd.s32 $0xFFFFFFFF  }
0xa5: {  	s26 =	simm.s32 $execute0_lowered;
	[smem:$0x3FD2] =	sst s25  }
0xa6: {  	s5 =	sshll.u32 s26, $0x1;
	_ =	strace $0x80000046;
	[dreg:$0x1] =	wrdreg $0xFFFFFFFF  }
0xa7: {  	s28 =	simm.s32 $_size_execute0_lowered;
	s3 =	sadd.s32 s3, s5;
	[dreg:$0x0] =	wrdreg $0x0  }
0xa8: {  	s5 =	sshll.u32 s28, $0x1;
	[dreg:$0x2] =	wrdreg s3  }
0xa9: {  	[dreg:$0x3] =	wrdreg s5  }
0xaa: {  	[dreg:$0x4] =	wrdreg $0xC0  }
0xab: {  	_ =	task [dreg:s7], $0x5FFFF  }
0xac: {  	[dreg:$0x1] =	wrdreg $0xFFFFFFFF  }
0xad: {  	[dreg:$0x0] =	wrdreg $0x60  }
0xae: {  	[dreg:$0x2] =	wrdreg s2  }
0xaf: {  	[dreg:$0x3] =	wrdreg s24  }
0xb0: {  	[dreg:$0x4] =	wrdreg $0x9  }
0xb1: {  	_ =	task.clear_ibuf [dreg:s7], $0x5FFFF;
	_ =	strace $0x90000046  }
0xb2: {  	s29 =	simm.s32 $0x9;
	_ =	strace $0x80000048  }
0xb3: {  	_ =	swait.ge [sflag:s29], $0x1  }
0xb4: {  	[sflag:s29] =	ssyncadd.s32 $0xFFFFFFFF  }
0xb5: {  	_ =	strace $0x90000048  }
0xb6: {  	_ =	sfence  }
0xb7: {  	s30 =	sld [smem:$0x0];
	_ =	sdelay $0x2  }
0xb8: {  	s31 =	sshll.u32 s1, $0xD;
	s1 =	sshrl.u32 s1, $0x2  }
0xb9: {  	s3 =	sand.u32 $0x4000, s31;
	s1 =	sadd.s32 s1, s30  }
0xba: {  	s0 =	sor.u32 s3, s0;
	s1 =	sshll.u32 s1, $0x11  }
0xbb: {  	s0 =	sor.u32 s1, s0  }
0xbc: {  	s0 =	sadd.s32 $0x8F2B, s0  }
0xbd: {  	[sflag:s0] =	ssyncadd.remote.s32 $0x1  }
0xbe: {  	_ =	sfence.sel $0xFFFF  }
0xbf: {  	[dreg:$0x0] =	wrdreg $0xFFFFFFFF;
	(pc) =	sbr.abs _section_cstart, $3  }
0xc0: {  	[dreg:$0x1] =	wrdreg $0xFFFFFFFF  }
0xc1: {  	_ =	task.clear_ibuf [dreg:s7], $0x2FFFF;
	_ =	strace $0x9FFFFFFF  }
0xc2: {  	(tm) =	ssettm $0x7FFFFFFF  }
0xc3: {  	_ =	shalt  }
tec
execute0_lowered:
.L_overlay_start_1:
0x0: {  	(tag) =	ssettag $0x1  }
0x1: {  	s9 =	rddreg [dreg:$0x0]  }
0x2: {  	s3 =	rddreg [dreg:$0x1]  }
0x3: {  	s0 =	rddreg [dreg:$0x2]  }
0x4: {  	s4 =	srdreg.scid;
	s1 =	stileid.u32  }
0x5: {  	s2 =	simm.s32 $0x0;
	s14 =	simm.s32 $0x2;
	s15 =	simm.s32 $0x4  }
0x6: {  	s16 =	simm.s32 $0x0;
	s8 =	sand.u32 $0x1, s4;
	s24 =	sshll.u32 s1, $0x1  }
0x7: {  	[smem:$0x7FF] =	sst s2;
	s10 =	sadd.s32 $0x400, s3;
	s12 =	sshll.u32 s1, $0xB  }
0x8: {  	s29 =	sshll.u32 s1, $0x16;
	s5 =	ssub.s32 $0x2, s8;
	s4 =	sor.u32 s8, s24  }
0x9: {  	_ =	strace $0x80000047;
	s11 =	sshll.u32 s8, $0xA;
	s8 =	sshll.u32 s8, $0x15  }
0xa: {  	s6 =	sshrl.u32 s5, $0x1;
	s7 =	sshll.u32 s4, $0xA;
	s4 =	sshll.u32 s4, $0x12  }
0xb: {  	s11 =	sor.u32 s12, s11;
	s8 =	sor.u32 s8, s29;
	s12 =	simm.s32 $0x1  }
0xc: {  	s5 =	ssub.s32 s5, s6;
	s25 =	ssub.s32 $0x200000, s7;
	s26 =	ssub.s32 $0x208000, s7  }
0xd: {  	s28 =	sadd.s32 s4, s10;
	s13 =	ssub.s32 $0x218000, s11;
	s11 =	ssub.s32 $0x210000, s11  }
0xe: {  	s31 =	sshrl.u32 s8, $0x3;
	s3 =	sshrl.u32 s25, $0x3;
	s6 =	sshrl.u32 s26, $0x3  }
0xf: {  	s5 =	smax.u32 s5, $0x1;
	s7 =	sadd.s32 $0x3F000, s28;
	s30 =	sshrl.u32 s13, $0x3  }
0x10: {  	s11 =	sshrl.u32 s11, $0x3;
	s10 =	sadd.s32 s31, s10;
	s13 =	simm.s32 $0x3  }
0x11: {  	s3 =	sadd.s32 s9, s3;
	s4 =	sadd.s32 s9, s6;
	s6 =	sadd.s32 $0x3E000, s28  }
0x12: {  	s8 =	sadd.s32 s30, s9;
	s9 =	sadd.s32 s11, s9;
	s11 =	simm.s32 $0x8000  }
.LBB2_1:
0x13: {  	[tilespmem:s2], [sflag:$0x1] =	stream.linear.gather [hbm4b:s3+s2], $0x8000, $0x38;
	[tilespmem:$0x10000] =	vst v63  }
0x14: {  	_ = 	snop  }
0x15: {  	[tilespmem:s11], [sflag:$0x2] =	stream.linear.gather [hbm4b:s4+s2], $0x8000, $0x38;
	[tilespmem:$0x10000] =	vst v63  }
0x16: {  	_ =	swait.ge [sflag:s12], $0x8000  }
0x17: {  	[sflag:s12] =	ssyncset.done $0x0  }
0x18: {  	s17 =	sadd.s32 $0x0, s10;
	[sflag:s12] =	ssyncadd.s32 $0xFFFF8000  }
0x19: {  	[hbm4b:s17+s2] =	stream.linear.scatter [tilespmem:s2], [sflag:$0x3], $0x8000, $0x38;
	[tilespmem:$0x10000] =	vst v63  }
0x1a: {  	_ =	swait.ge [sflag:s13], $0x8000  }
0x1b: {  	[sflag:s13] =	ssyncset.done $0x0  }
0x1c: {  	s18 =	sadd.s32 $0x0, s9;
	[sflag:s13] =	ssyncadd.s32 $0xFFFF8000  }
0x1d: {  	[tilespmem:s2], [sflag:$0x1] =	stream.linear.gather [hbm4b:s18+s2], $0x8000, $0x38;
	[tilespmem:$0x10000] =	vst v63  }
0x1e: {  	_ =	swait.ge [sflag:s14], $0x8000  }
0x1f: {  	[sflag:s14] =	ssyncset.done $0x0  }
0x20: {  	s17 =	sadd.s32 $0x1000, s17;
	[sflag:s14] =	ssyncadd.s32 $0xFFFF8000  }
0x21: {  	[hbm4b:s17+s2] =	stream.linear.scatter [tilespmem:s11], [sflag:$0x4], $0x8000, $0x38;
	[tilespmem:$0x10000] =	vst v63  }
0x22: {  	_ =	swait.ge [sflag:s15], $0x8000  }
0x23: {  	[sflag:s15] =	ssyncset.done $0x0  }
0x24: {  	s18 =	sadd.s32 $0x0, s8;
	s17 =	simm.s32 $0x2000;
	[sflag:s15] =	ssyncadd.s32 $0xFFFF8000  }
.LBB2_2:
0x25: {  	[tilespmem:s11], [sflag:$0x2] =	stream.linear.gather [hbm4b:s18+s2], $0x8000, $0x38;
	[tilespmem:$0x10000] =	vst v63  }
0x26: {  	s18 =	smov.u32 s17  }
0x27: {  	p0 =	sne.s32 s17, $0x3C000;
	s17 =	sadd.s32 $0x2000, s17;
	_ =	swait.ge [sflag:s12], $0x8000  }
0x28: {  	[sflag:s12] =	ssyncset.done $0x0  }
0x29: {  	s19 =	sadd.s32 s18, s10;
	[sflag:s12] =	ssyncadd.s32 $0xFFFF8000  }
0x2a: {  	[hbm4b:s19+s2] =	stream.linear.scatter [tilespmem:s2], [sflag:$0x3], $0x8000, $0x38;
	[tilespmem:$0x10000] =	vst v63  }
0x2b: {  	_ =	swait.ge [sflag:s13], $0x8000  }
0x2c: {  	[sflag:s13] =	ssyncset.done $0x0  }
0x2d: {  	s20 =	sadd.s32 s18, s9;
	[sflag:s13] =	ssyncadd.s32 $0xFFFF8000  }
0x2e: {  	[tilespmem:s2], [sflag:$0x1] =	stream.linear.gather [hbm4b:s20+s2], $0x8000, $0x38;
	[tilespmem:$0x10000] =	vst v63  }
0x2f: {  	_ =	swait.ge [sflag:s14], $0x8000  }
0x30: {  	[sflag:s14] =	ssyncset.done $0x0  }
.Ltmp0:
0x31: {  	s19 =	sadd.s32 $0x1000, s19;
	[sflag:s14] =	ssyncadd.s32 $0xFFFF8000;
	(pc) =	sbr.rel @p0 .LBB2_2-.Ltmp0, $4  }
0x32: {  	[hbm4b:s19+s2] =	stream.linear.scatter [tilespmem:s11], [sflag:$0x4], $0x8000, $0x38;
	[tilespmem:$0x10000] =	vst v63  }
0x33: {  	_ =	swait.ge [sflag:s15], $0x8000  }
0x34: {  	[sflag:s15] =	ssyncset.done $0x0  }
0x35: {  	s18 =	sadd.s32 s18, s8;
	[sflag:s15] =	ssyncadd.s32 $0xFFFF8000  }
0x36: {  	[tilespmem:s11], [sflag:$0x2] =	stream.linear.gather [hbm4b:s18+s2], $0x8000, $0x38;
	[tilespmem:$0x10000] =	vst v63  }
0x37: {  	_ =	swait.ge [sflag:s12], $0x8000  }
0x38: {  	[sflag:s12] =	ssyncset.done $0x0  }
0x39: {  	[sflag:s12] =	ssyncadd.s32 $0xFFFF8000  }
0x3a: {  	[hbm4b:s6+s2] =	stream.linear.scatter [tilespmem:s2], [sflag:$0x3], $0x8000, $0x38;
	[tilespmem:$0x10000] =	vst v63  }
0x3b: {  	_ =	swait.ge [sflag:s14], $0x8000  }
0x3c: {  	[sflag:s14] =	ssyncset.done $0x0  }
0x3d: {  	s16 =	sadd.s32 $0x1, s16;
	[sflag:s14] =	ssyncadd.s32 $0xFFFF8000  }
0x3e: {  	[hbm4b:s7+s2] =	stream.linear.scatter [tilespmem:s11], [sflag:$0x4], $0x8000, $0x38;
	[tilespmem:$0x10000] =	vst v63  }
0x3f: {  	p0 =	sne.s32 s16, s5;
	_ =	swait.ge [sflag:s13], $0x8000  }
.Ltmp1:
0x40: {  	[sflag:s13] =	ssyncset.done $0x0;
	(pc) =	sbr.rel @p0 .LBB2_1-.Ltmp1, $4  }
0x41: {  	[sflag:s13] =	ssyncadd.s32 $0xFFFF8000  }
0x42: {  	_ =	swait.ge [sflag:s15], $0x8000  }
0x43: {  	[sflag:s15] =	ssyncset.done $0x0  }
0x44: {  	[sflag:s15] =	ssyncadd.s32 $0xFFFF8000  }
0x45: {  	_ =	sfence.sel $0x180000  }
0x46: {  	[bflag:$0x0] =	sbarrier.arrive $0xFFFF  }
0x47: {  	p0 =	sne.s32 s1, $0x0;
	_ =	strace $0x90000047  }
0x48: {  	s0 =	sadd.s32 @!p0 $0x100000, s0;
	[bflag:$0x2] =	sbarrier.arrive $0xFFFF  }
0x49: {  	[sflag:s0] =	ssyncadd.tile.s32 @!p0 $0x1;
	_ =	shalt  }
.Lfunc_end2:
_tile_overlayer_lowered:
.L_overlay_start_2:
0x4a: {  	(tag) =	ssettag $0x2  }
0x4b: {  	s0 =	rddreg [dreg:$0x0];
	s2 =	stileid.u32  }
0x4c: {  	s1 =	rddreg [dreg:$0x1];
	p0 =	sne.s32 s2, $0x0  }
0x4d: {  	s3 =	rddreg [dreg:$0x2];
	[bflag:$0x3] =	sbarrier.arrive $0xFFFF;
	s2 =	simm.s32 @!p0 $0x1C05  }
0x4e: {  	[timem:s3], [sflag:s2] =	dma.local @!p0 [hbm:s0], s1  }
0x4f: {  	s0 =	simm.s32 @!p0 $0x5  }
0x50: {  	_ =	swait.ge @!p0 [sflag:s0], s1  }
0x51: {  	s1 =	ssub.s32 @!p0 $0x0, s1;
	[sflag:s0] =	ssyncset.done @!p0 $0x0  }
0x52: {  	[sflag:s0] =	ssyncadd.s32 @!p0 s1  }
0x53: {  	[bflag:$0x3] =	sbarrier.arrive $0xFFFF  }
0x54: {  	_ =	shalt  }

</sc_bundles>
